<compile_context>
chip_gen: v7x
topology: tpu7x:2x2x1
jax: 0.10.2.dev20260603
libtpu: 0.0.44.dev20260713+nightly
codegen_flags: <defaults>
</compile_context>

<pallas_src>
import jax
import jax.numpy as jnp
from jax.experimental import pallas as pl
from jax.experimental.pallas import tpu as pltpu
from jax.experimental.pallas import tpu_sc as plsc

_B = 512
_R = 4 * 64 * 64
_RB = 2048

_NCORES = 2
_NSUB = 16
_PER = _B // (_NCORES * _NSUB)


def _sc_gather(t, sa, som):
    mesh = plsc.VectorSubcoreMesh(core_axis_name="c", subcore_axis_name="s")

    @pl.kernel(
        out_type=(
            jax.ShapeDtypeStruct((1, _B), jnp.float32),
            jax.ShapeDtypeStruct((1, _B), jnp.float32),
        ),
        mesh=mesh,
        scratch_types=[
            pltpu.VMEM((1, _PER), jnp.int32),
            pltpu.VMEM((1, _PER), jnp.float32),
            pltpu.VMEM((1, _PER), jnp.float32),
            pltpu.SemaphoreType.DMA,
            pltpu.SemaphoreType.DMA,
        ],
    )
    def gather_kernel(t_hbm, sa_hbm, som_hbm, a_hbm, b_hbm, tv, av, bv,
                      sem0, sem1):
        c = jax.lax.axis_index("c")
        s = jax.lax.axis_index("s")
        base = (c * _NSUB + s) * _PER
        sl = pl.ds(base, _PER)
        pltpu.async_copy(t_hbm.at[0, sl], tv.at[0], sem0).wait()
        cpa = pltpu.async_copy(sa_hbm.at[tv.at[0]], av.at[0], sem0)
        cpb = pltpu.async_copy(som_hbm.at[tv.at[0]], bv.at[0], sem1)
        cpa.wait()
        cpb.wait()
        cpo1 = pltpu.async_copy(av.at[0], a_hbm.at[0, sl], sem0)
        cpo2 = pltpu.async_copy(bv.at[0], b_hbm.at[0, sl], sem1)
        cpo1.wait()
        cpo2.wait()

    return gather_kernel(t.reshape(1, _B).astype(jnp.int32), sa, som)


def _dense_body(a_ref, b_ref, x_ref, n_ref, o_ref):
    o_ref[...] = a_ref[...] * x_ref[...] + b_ref[...] * n_ref[...]


def kernel(x0, t, noise, sqrt_alphas_cumprod, sqrt_one_minus_alphas_cumprod):
    a_row, b_row = _sc_gather(
        t, sqrt_alphas_cumprod, sqrt_one_minus_alphas_cumprod
    )
    xT = jnp.transpose(x0, (1, 2, 3, 0)).reshape(_R, _B)
    nT = jnp.transpose(noise, (1, 2, 3, 0)).reshape(_R, _B)
    out = pl.pallas_call(
        _dense_body,
        grid=(_R // _RB,),
        in_specs=[
            pl.BlockSpec((1, _B), lambda i: (0, 0)),
            pl.BlockSpec((1, _B), lambda i: (0, 0)),
            pl.BlockSpec((_RB, _B), lambda i: (i, 0)),
            pl.BlockSpec((_RB, _B), lambda i: (i, 0)),
        ],
        out_specs=pl.BlockSpec((_RB, _B), lambda i: (i, 0)),
        out_shape=jax.ShapeDtypeStruct((_R, _B), jnp.float32),
        compiler_params=pltpu.CompilerParams(
            dimension_semantics=("parallel",),
        ),
    )(a_row, b_row, xT, nT)
    return out.reshape(4, 64, 64, _B).transpose(3, 0, 1, 2)

# --- scband reference (transcript-rebuilt; emitter-appended) ---
"""Pipeline reference for scband-cosine-noise-schedule-24859270709581 (READ-ONLY COPY).

The authoritative reference and input builder live on the scoring server;
editing this copy changes nothing except your own understanding.
"""

import jax, jax.numpy as jnp
import numpy as np
import math

T = 1000
S = 0.008

def _make_tables():
    steps = np.arange(T + 1, dtype=np.float64)
    f = np.cos((steps / T + S) / (1.0 + S) * (math.pi / 2.0)) ** 2
    alphas_cumprod = f / f[0]
    betas = np.clip(1.0 - alphas_cumprod[1:] / alphas_cumprod[:-1], a_min=None, a_max=0.999)
    sqrt_ac = np.sqrt(alphas_cumprod[:-1]).astype(np.float32)
    sqrt_om = np.sqrt(1.0 - alphas_cumprod[:-1]).astype(np.float32)
    return sqrt_ac, sqrt_om

def setup_inputs(seed: int = 0) -> dict:
    key = jax.random.key(seed)
    k1, k2, k3 = jax.random.split(key, 3)
    x0 = jax.random.normal(k1, (512, 4, 64, 64), dtype=jnp.float32)
    noise = jax.random.normal(k2, (512, 4, 64, 64), dtype=jnp.float32)
    t = jax.random.randint(k3, (512,), 0, T)
    sqrt_ac, sqrt_om = _make_tables()
    return {
        "x0": x0,
        "t": t,
        "noise": noise,
        "sqrt_alphas_cumprod": jnp.asarray(sqrt_ac),
        "sqrt_one_minus_alphas_cumprod": jnp.asarray(sqrt_om),
    }

def reference(x0, t, noise, sqrt_alphas_cumprod, sqrt_one_minus_alphas_cumprod):
    # embedding-style gather of per-timestep scalars from the schedule tables
    sqrt_alpha = jnp.take(sqrt_alphas_cumprod, t, axis=0)
    sqrt_one_minus = jnp.take(sqrt_one_minus_alphas_cumprod, t, axis=0)
    # broadcast [B] -> [B, 1, 1, 1] to match x0 rank (mirrors the while-unsqueeze loop)
    extra = x0.ndim - sqrt_alpha.ndim
    sqrt_alpha = sqrt_alpha.reshape(sqrt_alpha.shape + (1,) * extra)
    sqrt_one_minus = sqrt_one_minus.reshape(sqrt_one_minus.shape + (1,) * extra)
    return sqrt_alpha * x0 + sqrt_one_minus * noise

if __name__ == "__main__":
    import jax
    _d = setup_inputs()
    print(jax.jit(kernel)(*tuple(_d.values())))

</pallas_src>

<mosaic_0001>
#map = affine_map<(d0, d1) -> (0, 0)>
#map1 = affine_map<(d0, d1) -> (0)>
module attributes {stable_mosaic.version = 14 : i64} {
  func.func @gather_kernel(%arg0: i32, %arg1: i32, %arg2: memref<1x512xi32, #tpu.memory_space<hbm>>, %arg3: memref<1000xf32, #tpu.memory_space<hbm>>, %arg4: memref<1000xf32, #tpu.memory_space<hbm>>, %arg5: memref<1x512xf32, #tpu.memory_space<hbm>>, %arg6: memref<1x512xf32, #tpu.memory_space<hbm>>, %arg7: memref<1x16xi32, #tpu.memory_space<vmem>>, %arg8: memref<1x16xf32, #tpu.memory_space<vmem>>, %arg9: memref<1x16xf32, #tpu.memory_space<vmem>>, %arg10: memref<!tpu.dma_semaphore, #tpu.memory_space<semaphore_mem>>, %arg11: memref<!tpu.dma_semaphore, #tpu.memory_space<semaphore_mem>>) attributes {dimension_semantics = [#tpu.dimension_semantics<core_parallel>, #tpu.dimension_semantics<subcore_parallel>], iteration_bounds = array<i64: 2, 16>, scalar_prefetch = 0 : i64, scratch_operands = 5 : i64, tpu.core_type = #tpu.core_type<sc_vector_subcore>, window_params = [{transform_indices = #map}, {transform_indices = #map1}, {transform_indices = #map1}, {transform_indices = #map}, {transform_indices = #map}]} {
    %mul3A = arith.constant 16 : i32
    %mul3A_0 = arith.muli %arg0, %mul3A : i32
    %add3A = arith.addi %mul3A_0, %arg1 : i32
    %mul3A_1 = arith.constant 16 : i32
    %mul3A_2 = arith.muli %add3A, %mul3A_1 : i32
    %dma_start3A = arith.constant 0 : i32
    %dma_start3A_3 = arith.constant 0 : i32
    %dma_start3A_4 = arith.constant 0 : i32
    %dma_start3A_5 = tpu.memref_slice %arg7[%dma_start3A_3, %dma_start3A_4] : memref<1x16xi32, #tpu.memory_space<vmem>> -> memref<1x16xi32, #tpu.memory_space<vmem>>
    %dma_start3A_6 = tpu.memref_squeeze %dma_start3A_5 : memref<1x16xi32, #tpu.memory_space<vmem>> -> memref<16xi32, #tpu.memory_space<vmem>>
    %dma_start3A_7 = tpu.memref_slice %arg2[%dma_start3A, %mul3A_2] : memref<1x512xi32, #tpu.memory_space<hbm>> -> memref<1x16xi32, #tpu.memory_space<hbm>>
    %dma_start3A_8 = tpu.memref_squeeze %dma_start3A_7 : memref<1x16xi32, #tpu.memory_space<hbm>> -> memref<16xi32, #tpu.memory_space<hbm>>
    %dma_start3A_9 = arith.constant 0 : i32
    %dma_start3A_10 = tpu.memref_slice %arg7[%dma_start3A_3, %dma_start3A_9] : memref<1x16xi32, #tpu.memory_space<vmem>> -> memref<1x16xi32, #tpu.memory_space<vmem>>
    %dma_start3A_11 = tpu.memref_squeeze %dma_start3A_10 : memref<1x16xi32, #tpu.memory_space<vmem>> -> memref<16xi32, #tpu.memory_space<vmem>>
    %dma_start3A_12 = tpu.memref_slice %arg2[%dma_start3A, %mul3A_2] : memref<1x512xi32, #tpu.memory_space<hbm>> -> memref<1x16xi32, #tpu.memory_space<hbm>>
    %dma_start3A_13 = tpu.memref_squeeze %dma_start3A_12 : memref<1x16xi32, #tpu.memory_space<hbm>> -> memref<16xi32, #tpu.memory_space<hbm>>
    tpu.enqueue_dma source(%dma_start3A_13 : memref<16xi32, #tpu.memory_space<hbm>>) target(%dma_start3A_11 : memref<16xi32, #tpu.memory_space<vmem>>) target_semaphore(%arg10 : memref<!tpu.dma_semaphore, #tpu.memory_space<semaphore_mem>>)
    %dma_wait3A = arith.constant 0 : i32
    %dma_wait3A_14 = arith.constant 0 : i32
    %dma_wait3A_15 = arith.constant 0 : i32
    %dma_wait3A_16 = tpu.memref_slice %arg7[%dma_wait3A_14, %dma_wait3A_15] : memref<1x16xi32, #tpu.memory_space<vmem>> -> memref<1x16xi32, #tpu.memory_space<vmem>>
    %dma_wait3A_17 = tpu.memref_squeeze %dma_wait3A_16 : memref<1x16xi32, #tpu.memory_space<vmem>> -> memref<16xi32, #tpu.memory_space<vmem>>
    %dma_wait3A_18 = tpu.memref_slice %arg2[%dma_wait3A, %mul3A_2] : memref<1x512xi32, #tpu.memory_space<hbm>> -> memref<1x16xi32, #tpu.memory_space<hbm>>
    %dma_wait3A_19 = tpu.memref_squeeze %dma_wait3A_18 : memref<1x16xi32, #tpu.memory_space<hbm>> -> memref<16xi32, #tpu.memory_space<hbm>>
    %dma_wait3A_20 = arith.constant 0 : i32
    %dma_wait3A_21 = tpu.memref_slice %arg7[%dma_wait3A_14, %dma_wait3A_20] : memref<1x16xi32, #tpu.memory_space<vmem>> -> memref<1x16xi32, #tpu.memory_space<vmem>>
    %dma_wait3A_22 = tpu.memref_squeeze %dma_wait3A_21 : memref<1x16xi32, #tpu.memory_space<vmem>> -> memref<16xi32, #tpu.memory_space<vmem>>
    %dma_wait3A_23 = tpu.memref_slice %arg2[%dma_wait3A, %mul3A_2] : memref<1x512xi32, #tpu.memory_space<hbm>> -> memref<1x16xi32, #tpu.memory_space<hbm>>
    %dma_wait3A_24 = tpu.memref_squeeze %dma_wait3A_23 : memref<1x16xi32, #tpu.memory_space<hbm>> -> memref<16xi32, #tpu.memory_space<hbm>>
    tpu.wait_dma2 semaphore(%arg10 : memref<!tpu.dma_semaphore, #tpu.memory_space<semaphore_mem>>) src(%dma_wait3A_24 : memref<16xi32, #tpu.memory_space<hbm>>) dst(%dma_wait3A_22 : memref<16xi32, #tpu.memory_space<vmem>>)
    %dma_start3A_25 = arith.constant 0 : i32
    %dma_start3A_26 = arith.constant 0 : i32
    %dma_start3A_27 = arith.constant 0 : i32
    %dma_start3A_28 = tpu.memref_slice %arg8[%dma_start3A_26, %dma_start3A_27] : memref<1x16xf32, #tpu.memory_space<vmem>> -> memref<1x16xf32, #tpu.memory_space<vmem>>
    %dma_start3A_29 = tpu.memref_squeeze %dma_start3A_28 : memref<1x16xf32, #tpu.memory_space<vmem>> -> memref<16xf32, #tpu.memory_space<vmem>>
    %dma_start3A_30 = arith.constant 0 : i32
    %dma_start3A_31 = tpu.memref_slice %arg7[%dma_start3A_25, %dma_start3A_30] : memref<1x16xi32, #tpu.memory_space<vmem>> -> memref<1x16xi32, #tpu.memory_space<vmem>>
    %dma_start3A_32 = tpu.memref_squeeze %dma_start3A_31 : memref<1x16xi32, #tpu.memory_space<vmem>> -> memref<16xi32, #tpu.memory_space<vmem>>
    %dma_start3A_33 = arith.constant 0 : i32
    %dma_start3A_34 = tpu.memref_slice %arg3[%dma_start3A_33] : memref<1000xf32, #tpu.memory_space<hbm>> -> memref<1000xf32, #tpu.memory_space<hbm>>
    tpu.enqueue_indirect_dma source(%dma_start3A_34 : memref<1000xf32, #tpu.memory_space<hbm>>) target(%dma_start3A_29 : memref<16xf32, #tpu.memory_space<vmem>>) offsets(%dma_start3A_32 : memref<16xi32, #tpu.memory_space<vmem>>) semaphore(%arg10 : memref<!tpu.dma_semaphore, #tpu.memory_space<semaphore_mem>>)
    %dma_start3A_35 = arith.constant 0 : i32
    %dma_start3A_36 = arith.constant 0 : i32
    %dma_start3A_37 = arith.constant 0 : i32
    %dma_start3A_38 = tpu.memref_slice %arg9[%dma_start3A_36, %dma_start3A_37] : memref<1x16xf32, #tpu.memory_space<vmem>> -> memref<1x16xf32, #tpu.memory_space<vmem>>
    %dma_start3A_39 = tpu.memref_squeeze %dma_start3A_38 : memref<1x16xf32, #tpu.memory_space<vmem>> -> memref<16xf32, #tpu.memory_space<vmem>>
    %dma_start3A_40 = arith.constant 0 : i32
    %dma_start3A_41 = tpu.memref_slice %arg7[%dma_start3A_35, %dma_start3A_40] : memref<1x16xi32, #tpu.memory_space<vmem>> -> memref<1x16xi32, #tpu.memory_space<vmem>>
    %dma_start3A_42 = tpu.memref_squeeze %dma_start3A_41 : memref<1x16xi32, #tpu.memory_space<vmem>> -> memref<16xi32, #tpu.memory_space<vmem>>
    %dma_start3A_43 = arith.constant 0 : i32
    %dma_start3A_44 = tpu.memref_slice %arg4[%dma_start3A_43] : memref<1000xf32, #tpu.memory_space<hbm>> -> memref<1000xf32, #tpu.memory_space<hbm>>
    tpu.enqueue_indirect_dma source(%dma_start3A_44 : memref<1000xf32, #tpu.memory_space<hbm>>) target(%dma_start3A_39 : memref<16xf32, #tpu.memory_space<vmem>>) offsets(%dma_start3A_42 : memref<16xi32, #tpu.memory_space<vmem>>) semaphore(%arg11 : memref<!tpu.dma_semaphore, #tpu.memory_space<semaphore_mem>>)
    %dma_wait3A_45 = arith.constant 0 : i32
    %dma_wait3A_46 = arith.constant 0 : i32
    %dma_wait3A_47 = arith.constant 0 : i32
    %dma_wait3A_48 = tpu.memref_slice %arg8[%dma_wait3A_46, %dma_wait3A_47] : memref<1x16xf32, #tpu.memory_space<vmem>> -> memref<1x16xf32, #tpu.memory_space<vmem>>
    %dma_wait3A_49 = tpu.memref_squeeze %dma_wait3A_48 : memref<1x16xf32, #tpu.memory_space<vmem>> -> memref<16xf32, #tpu.memory_space<vmem>>
    %dma_wait3A_50 = arith.constant 0 : i32
    %dma_wait3A_51 = tpu.memref_slice %arg7[%dma_wait3A_45, %dma_wait3A_50] : memref<1x16xi32, #tpu.memory_space<vmem>> -> memref<1x16xi32, #tpu.memory_space<vmem>>
    %dma_wait3A_52 = tpu.memref_squeeze %dma_wait3A_51 : memref<1x16xi32, #tpu.memory_space<vmem>> -> memref<16xi32, #tpu.memory_space<vmem>>
    %dma_wait3A_53 = arith.constant 0 : i32
    %dma_wait3A_54 = tpu.memref_slice %arg3[%dma_wait3A_53] : memref<1000xf32, #tpu.memory_space<hbm>> -> memref<1000xf32, #tpu.memory_space<hbm>>
    tpu.wait_indirect_dma semaphore(%arg10 : memref<!tpu.dma_semaphore, #tpu.memory_space<semaphore_mem>>) src(%dma_wait3A_54 : memref<1000xf32, #tpu.memory_space<hbm>>) dst(%dma_wait3A_49 : memref<16xf32, #tpu.memory_space<vmem>>)
    %dma_wait3A_55 = arith.constant 0 : i32
    %dma_wait3A_56 = arith.constant 0 : i32
    %dma_wait3A_57 = arith.constant 0 : i32
    %dma_wait3A_58 = tpu.memref_slice %arg9[%dma_wait3A_56, %dma_wait3A_57] : memref<1x16xf32, #tpu.memory_space<vmem>> -> memref<1x16xf32, #tpu.memory_space<vmem>>
    %dma_wait3A_59 = tpu.memref_squeeze %dma_wait3A_58 : memref<1x16xf32, #tpu.memory_space<vmem>> -> memref<16xf32, #tpu.memory_space<vmem>>
    %dma_wait3A_60 = arith.constant 0 : i32
    %dma_wait3A_61 = tpu.memref_slice %arg7[%dma_wait3A_55, %dma_wait3A_60] : memref<1x16xi32, #tpu.memory_space<vmem>> -> memref<1x16xi32, #tpu.memory_space<vmem>>
    %dma_wait3A_62 = tpu.memref_squeeze %dma_wait3A_61 : memref<1x16xi32, #tpu.memory_space<vmem>> -> memref<16xi32, #tpu.memory_space<vmem>>
    %dma_wait3A_63 = arith.constant 0 : i32
    %dma_wait3A_64 = tpu.memref_slice %arg4[%dma_wait3A_63] : memref<1000xf32, #tpu.memory_space<hbm>> -> memref<1000xf32, #tpu.memory_space<hbm>>
    tpu.wait_indirect_dma semaphore(%arg11 : memref<!tpu.dma_semaphore, #tpu.memory_space<semaphore_mem>>) src(%dma_wait3A_64 : memref<1000xf32, #tpu.memory_space<hbm>>) dst(%dma_wait3A_59 : memref<16xf32, #tpu.memory_space<vmem>>)
    %dma_start3A_65 = arith.constant 0 : i32
    %dma_start3A_66 = arith.constant 0 : i32
    %dma_start3A_67 = arith.constant 0 : i32
    %dma_start3A_68 = tpu.memref_slice %arg8[%dma_start3A_65, %dma_start3A_67] : memref<1x16xf32, #tpu.memory_space<vmem>> -> memref<1x16xf32, #tpu.memory_space<vmem>>
    %dma_start3A_69 = tpu.memref_squeeze %dma_start3A_68 : memref<1x16xf32, #tpu.memory_space<vmem>> -> memref<16xf32, #tpu.memory_space<vmem>>
    %dma_start3A_70 = tpu.memref_slice %arg5[%dma_start3A_66, %mul3A_2] : memref<1x512xf32, #tpu.memory_space<hbm>> -> memref<1x16xf32, #tpu.memory_space<hbm>>
    %dma_start3A_71 = tpu.memref_squeeze %dma_start3A_70 : memref<1x16xf32, #tpu.memory_space<hbm>> -> memref<16xf32, #tpu.memory_space<hbm>>
    %dma_start3A_72 = tpu.memref_slice %arg5[%dma_start3A_66, %mul3A_2] : memref<1x512xf32, #tpu.memory_space<hbm>> -> memref<1x16xf32, #tpu.memory_space<hbm>>
    %dma_start3A_73 = tpu.memref_squeeze %dma_start3A_72 : memref<1x16xf32, #tpu.memory_space<hbm>> -> memref<16xf32, #tpu.memory_space<hbm>>
    %dma_start3A_74 = arith.constant 0 : i32
    %dma_start3A_75 = tpu.memref_slice %arg8[%dma_start3A_65, %dma_start3A_74] : memref<1x16xf32, #tpu.memory_space<vmem>> -> memref<1x16xf32, #tpu.memory_space<vmem>>
    %dma_start3A_76 = tpu.memref_squeeze %dma_start3A_75 : memref<1x16xf32, #tpu.memory_space<vmem>> -> memref<16xf32, #tpu.memory_space<vmem>>
    tpu.enqueue_dma source(%dma_start3A_76 : memref<16xf32, #tpu.memory_space<vmem>>) target(%dma_start3A_73 : memref<16xf32, #tpu.memory_space<hbm>>) target_semaphore(%arg10 : memref<!tpu.dma_semaphore, #tpu.memory_space<semaphore_mem>>)
    %dma_start3A_77 = arith.constant 0 : i32
    %dma_start3A_78 = arith.constant 0 : i32
    %dma_start3A_79 = arith.constant 0 : i32
    %dma_start3A_80 = tpu.memref_slice %arg9[%dma_start3A_77, %dma_start3A_79] : memref<1x16xf32, #tpu.memory_space<vmem>> -> memref<1x16xf32, #tpu.memory_space<vmem>>
    %dma_start3A_81 = tpu.memref_squeeze %dma_start3A_80 : memref<1x16xf32, #tpu.memory_space<vmem>> -> memref<16xf32, #tpu.memory_space<vmem>>
    %dma_start3A_82 = tpu.memref_slice %arg6[%dma_start3A_78, %mul3A_2] : memref<1x512xf32, #tpu.memory_space<hbm>> -> memref<1x16xf32, #tpu.memory_space<hbm>>
    %dma_start3A_83 = tpu.memref_squeeze %dma_start3A_82 : memref<1x16xf32, #tpu.memory_space<hbm>> -> memref<16xf32, #tpu.memory_space<hbm>>
    %dma_start3A_84 = tpu.memref_slice %arg6[%dma_start3A_78, %mul3A_2] : memref<1x512xf32, #tpu.memory_space<hbm>> -> memref<1x16xf32, #tpu.memory_space<hbm>>
    %dma_start3A_85 = tpu.memref_squeeze %dma_start3A_84 : memref<1x16xf32, #tpu.memory_space<hbm>> -> memref<16xf32, #tpu.memory_space<hbm>>
    %dma_start3A_86 = arith.constant 0 : i32
    %dma_start3A_87 = tpu.memref_slice %arg9[%dma_start3A_77, %dma_start3A_86] : memref<1x16xf32, #tpu.memory_space<vmem>> -> memref<1x16xf32, #tpu.memory_space<vmem>>
    %dma_start3A_88 = tpu.memref_squeeze %dma_start3A_87 : memref<1x16xf32, #tpu.memory_space<vmem>> -> memref<16xf32, #tpu.memory_space<vmem>>
    tpu.enqueue_dma source(%dma_start3A_88 : memref<16xf32, #tpu.memory_space<vmem>>) target(%dma_start3A_85 : memref<16xf32, #tpu.memory_space<hbm>>) target_semaphore(%arg11 : memref<!tpu.dma_semaphore, #tpu.memory_space<semaphore_mem>>)
    %dma_wait3A_89 = arith.constant 0 : i32
    %dma_wait3A_90 = arith.constant 0 : i32
    %dma_wait3A_91 = arith.constant 0 : i32
    %dma_wait3A_92 = tpu.memref_slice %arg8[%dma_wait3A_89, %dma_wait3A_91] : memref<1x16xf32, #tpu.memory_space<vmem>> -> memref<1x16xf32, #tpu.memory_space<vmem>>
    %dma_wait3A_93 = tpu.memref_squeeze %dma_wait3A_92 : memref<1x16xf32, #tpu.memory_space<vmem>> -> memref<16xf32, #tpu.memory_space<vmem>>
    %dma_wait3A_94 = tpu.memref_slice %arg5[%dma_wait3A_90, %mul3A_2] : memref<1x512xf32, #tpu.memory_space<hbm>> -> memref<1x16xf32, #tpu.memory_space<hbm>>
    %dma_wait3A_95 = tpu.memref_squeeze %dma_wait3A_94 : memref<1x16xf32, #tpu.memory_space<hbm>> -> memref<16xf32, #tpu.memory_space<hbm>>
    %dma_wait3A_96 = tpu.memref_slice %arg5[%dma_wait3A_90, %mul3A_2] : memref<1x512xf32, #tpu.memory_space<hbm>> -> memref<1x16xf32, #tpu.memory_space<hbm>>
    %dma_wait3A_97 = tpu.memref_squeeze %dma_wait3A_96 : memref<1x16xf32, #tpu.memory_space<hbm>> -> memref<16xf32, #tpu.memory_space<hbm>>
    %dma_wait3A_98 = arith.constant 0 : i32
    %dma_wait3A_99 = tpu.memref_slice %arg8[%dma_wait3A_89, %dma_wait3A_98] : memref<1x16xf32, #tpu.memory_space<vmem>> -> memref<1x16xf32, #tpu.memory_space<vmem>>
    %dma_wait3A_100 = tpu.memref_squeeze %dma_wait3A_99 : memref<1x16xf32, #tpu.memory_space<vmem>> -> memref<16xf32, #tpu.memory_space<vmem>>
    tpu.wait_dma2 semaphore(%arg10 : memref<!tpu.dma_semaphore, #tpu.memory_space<semaphore_mem>>) src(%dma_wait3A_100 : memref<16xf32, #tpu.memory_space<vmem>>) dst(%dma_wait3A_97 : memref<16xf32, #tpu.memory_space<hbm>>)
    %dma_wait3A_101 = arith.constant 0 : i32
    %dma_wait3A_102 = arith.constant 0 : i32
    %dma_wait3A_103 = arith.constant 0 : i32
    %dma_wait3A_104 = tpu.memref_slice %arg9[%dma_wait3A_101, %dma_wait3A_103] : memref<1x16xf32, #tpu.memory_space<vmem>> -> memref<1x16xf32, #tpu.memory_space<vmem>>
    %dma_wait3A_105 = tpu.memref_squeeze %dma_wait3A_104 : memref<1x16xf32, #tpu.memory_space<vmem>> -> memref<16xf32, #tpu.memory_space<vmem>>
    %dma_wait3A_106 = tpu.memref_slice %arg6[%dma_wait3A_102, %mul3A_2] : memref<1x512xf32, #tpu.memory_space<hbm>> -> memref<1x16xf32, #tpu.memory_space<hbm>>
    %dma_wait3A_107 = tpu.memref_squeeze %dma_wait3A_106 : memref<1x16xf32, #tpu.memory_space<hbm>> -> memref<16xf32, #tpu.memory_space<hbm>>
    %dma_wait3A_108 = tpu.memref_slice %arg6[%dma_wait3A_102, %mul3A_2] : memref<1x512xf32, #tpu.memory_space<hbm>> -> memref<1x16xf32, #tpu.memory_space<hbm>>
    %dma_wait3A_109 = tpu.memref_squeeze %dma_wait3A_108 : memref<1x16xf32, #tpu.memory_space<hbm>> -> memref<16xf32, #tpu.memory_space<hbm>>
    %dma_wait3A_110 = arith.constant 0 : i32
    %dma_wait3A_111 = tpu.memref_slice %arg9[%dma_wait3A_101, %dma_wait3A_110] : memref<1x16xf32, #tpu.memory_space<vmem>> -> memref<1x16xf32, #tpu.memory_space<vmem>>
    %dma_wait3A_112 = tpu.memref_squeeze %dma_wait3A_111 : memref<1x16xf32, #tpu.memory_space<vmem>> -> memref<16xf32, #tpu.memory_space<vmem>>
    tpu.wait_dma2 semaphore(%arg11 : memref<!tpu.dma_semaphore, #tpu.memory_space<semaphore_mem>>) src(%dma_wait3A_112 : memref<16xf32, #tpu.memory_space<vmem>>) dst(%dma_wait3A_109 : memref<16xf32, #tpu.memory_space<hbm>>)
    return
  }
}

module attributes {stable_mosaic.version = 14 : i64} {
  func.func @_dense_body(%arg0: i32, %arg1: memref<1x512xf32, #tpu.memory_space<vmem>>, %arg2: memref<1x512xf32, #tpu.memory_space<vmem>>, %arg3: memref<2048x512xf32, #tpu.memory_space<vmem>>, %arg4: memref<2048x512xf32, #tpu.memory_space<vmem>>, %arg5: memref<2048x512xf32, #tpu.memory_space<vmem>>) attributes {dimension_semantics = [#tpu.dimension_semantics<parallel>], iteration_bounds = array<i64: 8>, scalar_prefetch = 0 : i64, scratch_operands = 0 : i64, tpu.core_type = #tpu.core_type<tc>, window_params = [{pipeline_mode = #tpu.pipeline_mode<synchronous>, transform_indices = @transform_0, window_bounds = array<i64: 1, 512>}, {pipeline_mode = #tpu.pipeline_mode<synchronous>, transform_indices = @transform_1, window_bounds = array<i64: 1, 512>}, {transform_indices = @transform_2, window_bounds = array<i64: 2048, 512>}, {transform_indices = @transform_3, window_bounds = array<i64: 2048, 512>}, {transform_indices = @transform_4, window_bounds = array<i64: 2048, 512>}]} {
    %get3A = arith.constant 0 : index
    %get3A_0 = arith.constant 0 : index
    %get3A_1 = vector.load %arg1[%get3A, %get3A_0] : memref<1x512xf32, #tpu.memory_space<vmem>>, vector<1x512xf32>
    %get3A_2 = arith.constant 0 : index
    %get3A_3 = arith.constant 0 : index
    %get3A_4 = vector.load %arg3[%get3A_2, %get3A_3] : memref<2048x512xf32, #tpu.memory_space<vmem>>, vector<2048x512xf32>
    %mul3A = vector.broadcast %get3A_1 : vector<1x512xf32> to vector<2048x512xf32>
    %mul3A_5 = arith.mulf %mul3A, %get3A_4 : vector<2048x512xf32>
    %get3A_6 = arith.constant 0 : index
    %get3A_7 = arith.constant 0 : index
    %get3A_8 = vector.load %arg2[%get3A_6, %get3A_7] : memref<1x512xf32, #tpu.memory_space<vmem>>, vector<1x512xf32>
    %get3A_9 = arith.constant 0 : index
    %get3A_10 = arith.constant 0 : index
    %get3A_11 = vector.load %arg4[%get3A_9, %get3A_10] : memref<2048x512xf32, #tpu.memory_space<vmem>>, vector<2048x512xf32>
    %mul3A_12 = vector.broadcast %get3A_8 : vector<1x512xf32> to vector<2048x512xf32>
    %mul3A_13 = arith.mulf %mul3A_12, %get3A_11 : vector<2048x512xf32>
    %add3A = arith.addf %mul3A_5, %mul3A_13 : vector<2048x512xf32>
    %swap3A = arith.constant 0 : index
    %swap3A_14 = arith.constant 0 : index
    %swap3A_15 = vector.load %arg5[%swap3A, %swap3A_14] : memref<2048x512xf32, #tpu.memory_space<vmem>>, vector<2048x512xf32>
    tpu.vector_store %arg5[%swap3A, %swap3A_14], %add3A {strides = array<i32>} : memref<2048x512xf32, #tpu.memory_space<vmem>>, vector<2048x512xf32>,
    return
  }
  func.func @transform_0(%arg0: i32) -> (i32, i32) {
    %c0_i32 = arith.constant 0 : i32
    %c0_i32_0 = arith.constant 0 : i32
    %c0_i32_1 = arith.constant 0 : i32
    return %c0_i32, %c0_i32_0 : i32, i32
  }
  func.func @transform_1(%arg0: i32) -> (i32, i32) {
    %c0_i32 = arith.constant 0 : i32
    %c0_i32_0 = arith.constant 0 : i32
    %c0_i32_1 = arith.constant 0 : i32
    return %c0_i32, %c0_i32_0 : i32, i32
  }
  func.func @transform_2(%arg0: i32) -> (i32, i32) {
    %c0_i32 = arith.constant 0 : i32
    %c0_i32_0 = arith.constant 0 : i32
    return %arg0, %c0_i32 : i32, i32
  }
  func.func @transform_3(%arg0: i32) -> (i32, i32) {
    %c0_i32 = arith.constant 0 : i32
    %c0_i32_0 = arith.constant 0 : i32
    return %arg0, %c0_i32 : i32, i32
  }
  func.func @transform_4(%arg0: i32) -> (i32, i32) {
    %c0_i32 = arith.constant 0 : i32
    %c0_i32_0 = arith.constant 0 : i32
    return %arg0, %c0_i32 : i32, i32
  }
}

</mosaic_0001>

<sc_bundles>
// kernel: kernel.4.cloned.1.call-start
scs
__scs_entry_jumppad:
0x0: {  	(pc) =	sbr.rel $0x88, $3  }
0x1: {  	(tag) =	ssettag $0x0;
	lr =	simm.s32 $0x1  }
0x2: {  	[smem:$0x3F9C] =	sst lr;
	_ =	strace $0xD0000000  }
0x3: {  	_ = 	snop  }
0x4: {  	_ = 	snop  }
0x5: {  	_ = 	snop  }
0x6: {  	_ = 	snop  }
0x7: {  	_ = 	snop  }
__scs_overlays_trampoline_lowered:
0x8: {  	[smem:$0x3FAB] =	sst s0  }
0x9: {  	[smem:$0x3FAC] =	sst s1  }
0xa: {  	[smem:$0x3FAD] =	sst s2  }
0xb: {  	[smem:$0x3FAE] =	sst s3  }
0xc: {  	[smem:$0x3FAF] =	sst s4  }
0xd: {  	[smem:$0x3FB0] =	sst s5  }
0xe: {  	[smem:$0x3FB1] =	sst s6  }
0xf: {  	[smem:$0x3FB2] =	sst s7  }
0x10: {  	[smem:$0x3FB3] =	sst s8  }
0x11: {  	[smem:$0x3FB4] =	sst s9;
	s0 =	simm.s32 @!p0 $0x0  }
0x12: {  	s1 =	sld [smem:$0x3F9A];
	s0 =	simm.s32 @p0 $0x1  }
0x13: {  	[smem:$0x3FB5] =	sst s0;
	s0 =	simm.s32 @!p1 $0x0  }
0x14: {  	s2 =	sld [smem:$0x3F99];
	s0 =	simm.s32 @p1 $0x1  }
0x15: {  	[smem:$0x3FB6] =	sst s0;
	s0 =	simm.s32 @!p2 $0x0  }
0x16: {  	s3 =	sld [smem:$0x3FDB];
	s0 =	simm.s32 @p2 $0x1  }
0x17: {  	s4 =	simm.s32 $0x1BF5;
	[smem:$0x3FB8] =	sst s0  }
0x18: {  	s0 =	sld [smem:$0x3F9B];
	_ =	swait.ge [sflag:s4], $0x0  }
0x19: {  	s7 =	sld [smem:$0x3F9C]  }
0x1a: {  	s8 =	sadd.s32 $0xFFFFE003, lr  }
0x1b: {  	s9 =	sadd.s32 $0xFFFFFEF7, lr;
	s5 =	simm.s32 $0xFFFFFFFF;
	p2 =	slt.u32 s8, $0xFFFFF086  }
0x1c: {  	p1 =	slt.u32 s9, $0xF7A;
	s5 =	simm.s32 @!p2 $0x0  }
0x1d: {  	s5 =	simm.s32 @p1 $0x1;
	p0 =	seq.s32 s7, s2  }
0x1e: {  	s7 =	smul.u32 @!p0 $0xF7A, s2;
	p2 =	seq.s32 @!p0 s5, $0x0  }
0x1f: {  	s9 =	smul.u32 $0xF7A, s1;
	s8 =	simm.s32 @!p0 $0x1BF5;
	p2 =	por !p2, p0  }
0x20: {  	[sflag:s8] =	ssyncset.s32 @!p0 $0xFFFFF086;
	s6 =	sadd.s32 @!p0 s3, s7;
	s7 =	simm.s32 @!p0 $0x108  }
0x21: {  	s3 =	sadd.s32 s3, s9;
	s6 =	sadd.s32 @!p0 $0x88, s6;
	s7 =	simm.s32 @p2 $0x1082  }
0x22: {  	[simem:s7], [sflag:s8] =	dma.local @!p0 [hbm:s6], $0xF7A  }
0x23: {  	s9 =	sor.u32 $0xD0000000, s2;
	s6 =	simm.s32 $0x108;
	_ =	swait.ge @!p0 [sflag:s8], $0x0  }
0x24: {  	s3 =	sadd.s32 $0x88, s3;
	s6 =	simm.s32 @!p1 $0x1082;
	[sflag:s4] =	ssyncset.s32 $0xFFFFF086  }
0x25: {  	[simem:s6], [sflag:s4] =	dma.local [hbm:s3], $0xF7A  }
0x26: {  	[smem:$0x3F9C] =	sst s1;
	(tag) =	ssettag s2;
	_ =	strace s9  }
0x27: {  	s1 =	sld [smem:$0x3FAC]  }
0x28: {  	s2 =	sld [smem:$0x3FAD]  }
0x29: {  	s4 =	sld [smem:$0x3FAF]  }
0x2a: {  	p0 =	seq.s32 s5, $0x0;
	s5 =	sld [smem:$0x3FB0]  }
0x2b: {  	s6 =	sld [smem:$0x3FB1]  }
0x2c: {  	s7 =	sld [smem:$0x3FB2]  }
0x2d: {  	s3 =	simm.s32 $0x108;
	s8 =	sld [smem:$0x3FB3]  }
0x2e: {  	s3 =	simm.s32 @!p0 $0x1082;
	s9 =	sld [smem:$0x3FB4]  }
0x2f: {  	lr =	sadd.s32 s0, s3;
	s0 =	sld [smem:$0x3FAB]  }
0x30: {  	s3 =	sld [smem:$0x3FAE]  }
0x31: {  	[smem:$0x3FB7] =	sst s10  }
0x32: {  	s10 =	sld [smem:$0x3FB5];
	_ =	sdelay $0x3  }
0x33: {  	p0 =	seq.s32 s10, $0x1;
	s10 =	sld [smem:$0x3FB7];
	_ =	sdelay $0x3  }
0x34: {  	[smem:$0x3FB7] =	sst s10  }
0x35: {  	s10 =	sld [smem:$0x3FB6];
	_ =	sdelay $0x3  }
0x36: {  	p1 =	seq.s32 s10, $0x1;
	s10 =	sld [smem:$0x3FB7];
	_ =	sdelay $0x3  }
0x37: {  	[smem:$0x3FB7] =	sst s10  }
0x38: {  	s10 =	sld [smem:$0x3FB8]  }
0x39: {  	_ = 	snop;
	(pc) =	sbr.ind lr, $3  }
0x3a: {  	_ = 	snop  }
0x3b: {  	_ = 	snop  }
0x3c: {  	p2 =	seq.s32 s10, $0x1;
	s10 =	sld [smem:$0x3FB7]  }
0x3d: {  	_ =	shalt  }
0x3e: {  	_ =	shalt  }
0x3f: {  	_ =	shalt  }
0x40: {  	_ =	shalt  }
0x41: {  	_ =	shalt  }
0x42: {  	_ =	shalt  }
0x43: {  	_ =	shalt  }
0x44: {  	_ =	shalt  }
0x45: {  	_ =	shalt  }
0x46: {  	_ =	shalt  }
0x47: {  	_ =	shalt  }
0x48: {  	_ =	shalt  }
0x49: {  	_ =	shalt  }
0x4a: {  	_ =	shalt  }
0x4b: {  	_ =	shalt  }
0x4c: {  	_ =	shalt  }
0x4d: {  	_ =	shalt  }
0x4e: {  	_ =	shalt  }
0x4f: {  	_ =	shalt  }
0x50: {  	_ =	shalt  }
0x51: {  	_ =	shalt  }
0x52: {  	_ =	shalt  }
0x53: {  	_ =	shalt  }
0x54: {  	_ =	shalt  }
0x55: {  	_ =	shalt  }
0x56: {  	_ =	shalt  }
0x57: {  	_ =	shalt  }
0x58: {  	_ =	shalt  }
0x59: {  	_ =	shalt  }
0x5a: {  	_ =	shalt  }
0x5b: {  	_ =	shalt  }
0x5c: {  	_ =	shalt  }
0x5d: {  	_ =	shalt  }
0x5e: {  	_ =	shalt  }
0x5f: {  	_ =	shalt  }
0x60: {  	_ =	shalt  }
0x61: {  	_ =	shalt  }
0x62: {  	_ =	shalt  }
0x63: {  	_ =	shalt  }
0x64: {  	_ =	shalt  }
0x65: {  	_ =	shalt  }
0x66: {  	_ =	shalt  }
0x67: {  	_ =	shalt  }
0x68: {  	_ =	shalt  }
0x69: {  	_ =	shalt  }
0x6a: {  	_ =	shalt  }
0x6b: {  	_ =	shalt  }
0x6c: {  	_ =	shalt  }
0x6d: {  	_ =	shalt  }
0x6e: {  	_ =	shalt  }
0x6f: {  	_ =	shalt  }
0x70: {  	_ =	shalt  }
0x71: {  	_ =	shalt  }
0x72: {  	_ =	shalt  }
0x73: {  	_ =	shalt  }
0x74: {  	_ =	shalt  }
0x75: {  	_ =	shalt  }
0x76: {  	_ =	shalt  }
0x77: {  	_ =	shalt  }
0x78: {  	_ =	shalt  }
0x79: {  	_ =	shalt  }
0x7a: {  	_ =	shalt  }
0x7b: {  	_ =	shalt  }
0x7c: {  	_ =	shalt  }
0x7d: {  	_ =	shalt  }
0x7e: {  	_ =	shalt  }
0x7f: {  	_ =	shalt  }
0x80: {  	_ =	shalt  }
0x81: {  	_ =	shalt  }
0x82: {  	_ =	shalt  }
0x83: {  	_ =	shalt  }
0x84: {  	_ =	shalt  }
0x85: {  	_ =	shalt  }
0x86: {  	_ =	shalt  }
0x87: {  	_ =	shalt  }
.Lfunc_end0:
.L_simem_size_0:
called_computation_lowered:
.L_overlay_start_0:
0x88: {  	s2 =	sld [smem:$0x3FD9]  }
0x89: {  	s3 =	sld [smem:$0x3FFE];
	_ =	sdelay $0x1  }
0x8a: {  	s1 =	srdreg.scid  }
0x8b: {  	s0 =	sand.u32 $0x1, s1  }
0x8c: {  	s17 =	sshll.u32 s0, $0xA;
	s2 =	sadd.s32 s3, s2  }
0x8d: {  	s2 =	sadd.s32 s2, s17  }
0x8e: {  	[smem:$0x3FC3] =	sst s2  }
0x8f: {  	_ = 	snop  }
0x90: {  	s2 =	sld [smem:$0x3FC8]  }
0x91: {  	s18 =	sld [smem:$0x3FC6]  }
0x92: {  	s4 =	sld [smem:$0x3FC5]  }
0x93: {  	s5 =	sld [smem:$0x3FD0];
	(tm) =	ssettm $0x1  }
0x94: {  	s6 =	sld [smem:$0x3FFB];
	_ =	sdelay $0x3  }
0x95: {  	_ =	strace s6  }
0x96: {  	s6 =	sld [smem:$0x3FFC];
	_ =	sdelay $0x3  }
0x97: {  	_ =	strace s6  }
0x98: {  	s6 =	sld [smem:$0x3FFD];
	_ =	sdelay $0x3  }
0x99: {  	_ =	strace s6  }
0x9a: {  	_ =	strace $0x8FFFFFFF  }
0x9b: {  	s19 =	sld [smem:$0x3FDB];
	_ =	sdelay $0x1  }
0x9c: {  	s7 =	simm.s32 $_scs_section_size  }
0x9d: {  	s8 =	simm.s32 $_size__tile_overlayer_lowered;
	s9 =	simm.s32 $_tile_overlayer_lowered  }
0x9e: {  	s22 =	simm.s32 $0x1BFF;
	s21 =	sshll.u32 s9, $0x1;
	s6 =	sadd.s32 s7, s19  }
0x9f: {  	s10 =	simm.s32 $0x0;
	s20 =	sshll.u32 s8, $0x1;
	s8 =	sadd.s32 s21, s6  }
0xa0: {  	[timem:s10], [sflag:s22] =	dma.local [hbm:s8], s20  }
0xa1: {  	_ =	swait.ge [sflag:s22], s20  }
0xa2: {  	s7 =	ssub.s32 $0x0, s20;
	[sflag:s22] =	ssyncset.done $0x0  }
0xa3: {  	[sflag:s22] =	ssyncadd.s32 s7;
	_ =	sdelay $0x1  }
0xa4: {  	s23 =	simm.s32 $0x1B8B  }
0xa5: {  	_ =	swait.ge [sflag:s23], $0x1  }
0xa6: {  	[sflag:s23] =	ssyncset.done $0x0  }
0xa7: {  	s25 =	simm.s32 $0x1B8E;
	s24 =	sld [smem:$0x3FFE];
	[sflag:s23] =	ssyncadd.s32 $0xFFFFFFFF  }
0xa8: {  	s26 =	simm.s32 $execute0_lowered;
	[smem:$0x3FD2] =	sst s25  }
0xa9: {  	s8 =	sshll.u32 s26, $0x1;
	_ =	strace $0x80000046;
	[dreg:$0x1] =	wrdreg $0xFFFFFFFF  }
0xaa: {  	s28 =	simm.s32 $_size_execute0_lowered;
	s6 =	sadd.s32 s6, s8;
	[dreg:$0x0] =	wrdreg $0x0  }
0xab: {  	s8 =	sshll.u32 s28, $0x1;
	[dreg:$0x2] =	wrdreg s6  }
0xac: {  	[dreg:$0x3] =	wrdreg s8  }
0xad: {  	[dreg:$0x4] =	wrdreg $0xC0  }
0xae: {  	_ =	task [dreg:s10], $0x5FFFF  }
0xaf: {  	[dreg:$0x1] =	wrdreg $0xFFFFFFFF  }
0xb0: {  	[dreg:$0x0] =	wrdreg $0x60  }
0xb1: {  	[dreg:$0x2] =	wrdreg s2  }
0xb2: {  	[dreg:$0x3] =	wrdreg s18  }
0xb3: {  	[dreg:$0x4] =	wrdreg s4  }
0xb4: {  	[dreg:$0x5] =	wrdreg s5  }
0xb5: {  	[dreg:$0x6] =	wrdreg s24  }
0xb6: {  	[dreg:$0x7] =	wrdreg $0x9  }
0xb7: {  	_ =	task.clear_ibuf [dreg:s10], $0x8FFFF;
	_ =	strace $0x90000046  }
0xb8: {  	s29 =	simm.s32 $0x9;
	_ =	strace $0x80000048  }
0xb9: {  	_ =	swait.ge [sflag:s29], $0x1  }
0xba: {  	[sflag:s29] =	ssyncadd.s32 $0xFFFFFFFF  }
0xbb: {  	_ =	strace $0x90000048  }
0xbc: {  	_ =	sfence  }
0xbd: {  	s30 =	sld [smem:$0x0];
	_ =	sdelay $0x2  }
0xbe: {  	s31 =	sshll.u32 s1, $0xD;
	s1 =	sshrl.u32 s1, $0x2  }
0xbf: {  	s3 =	sand.u32 $0x4000, s31;
	s1 =	sadd.s32 s1, s30  }
0xc0: {  	s0 =	sor.u32 s3, s0;
	s1 =	sshll.u32 s1, $0x11  }
0xc1: {  	s0 =	sor.u32 s1, s0  }
0xc2: {  	s0 =	sadd.s32 $0x8F2B, s0  }
0xc3: {  	[sflag:s0] =	ssyncadd.remote.s32 $0x1  }
0xc4: {  	_ =	sfence.sel $0xFFFF  }
0xc5: {  	[dreg:$0x0] =	wrdreg $0xFFFFFFFF;
	(pc) =	sbr.abs _section_cstart, $3  }
0xc6: {  	[dreg:$0x1] =	wrdreg $0xFFFFFFFF  }
0xc7: {  	_ =	task.clear_ibuf [dreg:s10], $0x2FFFF;
	_ =	strace $0x9FFFFFFF  }
0xc8: {  	(tm) =	ssettm $0x7FFFFFFF  }
0xc9: {  	_ =	shalt  }
tec
execute0_lowered:
.L_overlay_start_1:
0x0: {  	(tag) =	ssettag $0x1  }
0x1: {  	s5 =	rddreg [dreg:$0x0]  }
0x2: {  	s1 =	rddreg [dreg:$0x1]  }
0x3: {  	s3 =	rddreg [dreg:$0x2]  }
0x4: {  	s11 =	rddreg [dreg:$0x3]  }
0x5: {  	s12 =	rddreg [dreg:$0x4];
	s4 =	srdreg.scid  }
0x6: {  	s0 =	rddreg [dreg:$0x5];
	s2 =	stileid.u32;
	s13 =	sand.u32 $0x1, s4  }
0x7: {  	s4 =	simm.s32 $0x0;
	s7 =	sshll.u32 s2, $0x1;
	s6 =	sshll.u32 s13, $0x5  }
0x8: {  	[smem:$0x7FF] =	sst s4;
	s14 =	sor.u32 s7, s6  }
0x9: {  	_ =	strace $0x80000047;
	s6 =	simm.s32 $0x1;
	s5 =	sadd.s32 s5, s14  }
0xa: {  	[tilespmem:s4], [sflag:$0x1] =	stream.linear.gather [hbm4b:s5+s4], $0x10, $0x38;
	[tilespmem:$0x180] =	vst v63  }
0xb: {  	_ =	swait.ge [sflag:s6], $0x10  }
0xc: {  	[sflag:s6] =	ssyncset.done $0x0  }
0xd: {  	s8 =	simm.s32 $0x80;
	s7 =	simm.s32 $0x10;
	[sflag:s6] =	ssyncadd.s32 $0xFFFFFFF0  }
0xe: {  	[tilespmem:s8], [sflag:$0x1] =	stream.indirect.gather [hbm4b:s1+s7], $0x1, s4, s7, $0xb8;
	[tilespmem:$0x180] =	vst v63  }
0xf: {  	s9 =	simm.s32 $0x100  }
0x10: {  	[tilespmem:s9], [sflag:$0x2] =	stream.indirect.gather [hbm4b:s3+s7], $0x1, s4, s7, $0xb8;
	[tilespmem:$0x180] =	vst v63  }
0x11: {  	_ =	swait.ge [sflag:s6], $0x10  }
0x12: {  	[sflag:s6] =	ssyncset.done $0x0  }
0x13: {  	s10 =	simm.s32 $0x2;
	s13 =	ssub.s32 $0x2, s13;
	[sflag:s6] =	ssyncadd.s32 $0xFFFFFFF0  }
0x14: {  	s31 =	sshrl.u32 s13, $0x1;
	_ =	swait.ge [sflag:s10], $0x10  }
0x15: {  	s12 =	sadd.s32 s14, s12;
	s13 =	ssub.s32 s13, s31;
	[sflag:s10] =	ssyncset.done $0x0  }
0x16: {  	s11 =	sadd.s32 s11, s14;
	s13 =	smax.u32 s13, $0x1;
	[sflag:s10] =	ssyncadd.s32 $0xFFFFFFF0  }
0x17: {  	[hbm4b:s11+s4] =	stream.linear.scatter [tilespmem:s8], [sflag:$0x1], $0x10, $0x38;
	[tilespmem:$0x180] =	vst v63  }
0x18: {  	s12 =	sadd.s32 $0xC00, s12;
	p0 =	sne.s32 s13, $0x1  }
0x19: {  	[hbm4b:s12+s4] =	stream.linear.scatter [tilespmem:s9], [sflag:$0x2], $0x10, $0x38;
	[tilespmem:$0x180] =	vst v63  }
.Ltmp0:
0x1a: {  	_ =	swait.ge [sflag:s6], $0x10;
	(pc) =	sbr.rel @!p0 .LBB2_2-.Ltmp0, $4  }
0x1b: {  	[sflag:s6] =	ssyncset.done $0x0  }
0x1c: {  	[sflag:s6] =	ssyncadd.s32 $0xFFFFFFF0  }
0x1d: {  	_ =	swait.ge [sflag:s10], $0x10  }
0x1e: {  	s13 =	sadd.s32 $0xFFFFFFFF, s13;
	[sflag:s10] =	ssyncset.done $0x0  }
.LBB2_1:
0x1f: {  	p0 =	sne.s32 s13, $0x1;
	s13 =	sadd.s32 $0xFFFFFFFF, s13;
	[sflag:s10] =	ssyncadd.s32 $0xFFFFFFF0  }
0x20: {  	[tilespmem:s4], [sflag:$0x1] =	stream.linear.gather [hbm4b:s5+s4], $0x10, $0x38;
	[tilespmem:$0x180] =	vst v63  }
0x21: {  	_ =	swait.ge [sflag:s6], $0x10  }
0x22: {  	[sflag:s6] =	ssyncset.done $0x0  }
0x23: {  	[sflag:s6] =	ssyncadd.s32 $0xFFFFFFF0  }
0x24: {  	[tilespmem:s8], [sflag:$0x1] =	stream.indirect.gather [hbm4b:s1+s7], $0x1, s4, s7, $0xb8;
	[tilespmem:$0x180] =	vst v63  }
0x25: {  	_ = 	snop  }
0x26: {  	[tilespmem:s9], [sflag:$0x2] =	stream.indirect.gather [hbm4b:s3+s7], $0x1, s4, s7, $0xb8;
	[tilespmem:$0x180] =	vst v63  }
0x27: {  	_ =	swait.ge [sflag:s6], $0x10  }
0x28: {  	[sflag:s6] =	ssyncset.done $0x0  }
0x29: {  	[sflag:s6] =	ssyncadd.s32 $0xFFFFFFF0  }
0x2a: {  	_ =	swait.ge [sflag:s10], $0x10  }
0x2b: {  	[sflag:s10] =	ssyncset.done $0x0  }
0x2c: {  	[sflag:s10] =	ssyncadd.s32 $0xFFFFFFF0  }
0x2d: {  	[hbm4b:s11+s4] =	stream.linear.scatter [tilespmem:s8], [sflag:$0x1], $0x10, $0x38;
	[tilespmem:$0x180] =	vst v63  }
0x2e: {  	_ = 	snop  }
0x2f: {  	[hbm4b:s12+s4] =	stream.linear.scatter [tilespmem:s9], [sflag:$0x2], $0x10, $0x38;
	[tilespmem:$0x180] =	vst v63  }
.Ltmp1:
0x30: {  	_ =	swait.ge [sflag:s6], $0x10;
	(pc) =	sbr.rel @p0 .LBB2_1-.Ltmp1, $4  }
0x31: {  	[sflag:s6] =	ssyncset.done $0x0  }
0x32: {  	[sflag:s6] =	ssyncadd.s32 $0xFFFFFFF0  }
0x33: {  	_ =	swait.ge [sflag:s10], $0x10  }
0x34: {  	[sflag:s10] =	ssyncset.done $0x0  }
.LBB2_2:
0x35: {  	[sflag:s10] =	ssyncadd.s32 $0xFFFFFFF0  }
0x36: {  	_ =	sfence.sel $0x180000  }
0x37: {  	[bflag:$0x0] =	sbarrier.arrive $0xFFFF  }
0x38: {  	p0 =	sne.s32 s2, $0x0;
	_ =	strace $0x90000047  }
0x39: {  	s0 =	sadd.s32 @!p0 $0x100000, s0;
	[bflag:$0x2] =	sbarrier.arrive $0xFFFF  }
0x3a: {  	[sflag:s0] =	ssyncadd.tile.s32 @!p0 $0x1;
	_ =	shalt  }
.Lfunc_end2:
_tile_overlayer_lowered:
.L_overlay_start_2:
0x3b: {  	(tag) =	ssettag $0x2  }
0x3c: {  	s0 =	rddreg [dreg:$0x0];
	s2 =	stileid.u32  }
0x3d: {  	s1 =	rddreg [dreg:$0x1];
	p0 =	sne.s32 s2, $0x0  }
0x3e: {  	s3 =	rddreg [dreg:$0x2];
	[bflag:$0x3] =	sbarrier.arrive $0xFFFF;
	s2 =	simm.s32 @!p0 $0x1C03  }
0x3f: {  	[timem:s3], [sflag:s2] =	dma.local @!p0 [hbm:s0], s1  }
0x40: {  	s0 =	simm.s32 @!p0 $0x3  }
0x41: {  	_ =	swait.ge @!p0 [sflag:s0], s1  }
0x42: {  	s1 =	ssub.s32 @!p0 $0x0, s1;
	[sflag:s0] =	ssyncset.done @!p0 $0x0  }
0x43: {  	[sflag:s0] =	ssyncadd.s32 @!p0 s1  }
0x44: {  	[bflag:$0x3] =	sbarrier.arrive $0xFFFF  }
0x45: {  	_ =	shalt  }

</sc_bundles>
